<compile_context>
chip_gen: v7x
topology: tpu7x:2x2x1
jax: 0.10.2.dev20260603
libtpu: 0.0.44.dev20260713+nightly
codegen_flags: <defaults>
</compile_context>

<pallas_src>
import functools

import jax
import jax.numpy as jnp
from jax import lax
from jax.experimental import pallas as pl
from jax.experimental.pallas import tpu as pltpu
from jax.experimental.pallas import tpu_sc as plsc

_NUM_REQS = 128
_LANES = 16
_REQS_PER_WORKER = 8
_NUM_WORKERS = _NUM_REQS // _REQS_PER_WORKER


def _last_loc_sc(table, pool_idx, prefix_lens):
    num_rows, stride = table.shape
    num_tokens = num_rows * stride
    assert stride & (stride - 1) == 0, "row stride must be a power of two"
    sh = stride.bit_length() - 1
    num_cores = 1
    mesh = plsc.VectorSubcoreMesh(
        core_axis_name="c", subcore_axis_name="s", num_cores=num_cores)

    @functools.partial(
        pl.kernel,
        mesh=mesh,
        compiler_params=pltpu.CompilerParams(
            use_tc_tiling_on_sc=True, needs_layout_passes=False),
        out_type=jax.ShapeDtypeStruct((_NUM_REQS,), jnp.int32),
        scratch_types=[
            pltpu.VMEM((_LANES,), jnp.int32),
            pltpu.VMEM((_LANES,), jnp.int32),
            pltpu.VMEM((_LANES,), jnp.int32),
            pltpu.VMEM((_REQS_PER_WORKER * 8, 128), jnp.int32),
            pltpu.SemaphoreType.DMA,
            pltpu.SemaphoreType.DMA,
        ],
    )
    def body(table_hbm, pool_hbm, len_hbm, out_hbm,
             pool_v, len_v, res_v, tiles_v, sem, sem2):
        wid = lax.axis_index("s") * num_cores + lax.axis_index("c")
        base = wid * _REQS_PER_WORKER
        cp1 = pltpu.async_copy(
            pool_hbm.at[pl.ds(base, _REQS_PER_WORKER)],
            pool_v.at[pl.ds(0, _REQS_PER_WORKER)], sem)
        cp2 = pltpu.async_copy(
            len_hbm.at[pl.ds(base, _REQS_PER_WORKER)],
            len_v.at[pl.ds(0, _REQS_PER_WORKER)], sem)
        cp1.wait()
        cp2.wait()
        lens = len_v[...]
        tok = pool_v[...] * stride + (lens - 1)
        tok = jnp.clip(tok, 0, num_tokens - 1)
        lane = lax.iota(jnp.int32, _LANES)
        copies = []
        for j in range(_REQS_PER_WORKER):
            tok_j = jnp.max(jnp.where(lane == j, tok, jnp.int32(0)))
            r8 = pl.multiple_of(
                lax.bitwise_and(lax.shift_right_logical(tok_j, sh),
                                jnp.int32(~7)), 8)
            cb = pl.multiple_of(
                lax.bitwise_and(tok_j, jnp.int32((stride - 1) & ~127)), 128)
            copies.append(pltpu.async_copy(
                table_hbm.at[pl.ds(r8, 8), pl.ds(cb, 128)],
                tiles_v.at[pl.ds(j * 8, 8), pl.ds(0, 128)], sem2))
        for cp in copies:
            cp.wait()
        row_in = lax.bitwise_and(
            lax.shift_right_logical(tok, sh), jnp.int32(7))
        col_in = lax.bitwise_and(tok, jnp.int32(127))
        tile_row = lax.bitwise_and(lane, _REQS_PER_WORKER - 1) * 8 + row_in
        vals = plsc.load_gather(tiles_v, [tile_row, col_in])
        res_v[...] = jnp.where(lens > 0, vals, jnp.int32(-1))
        pltpu.sync_copy(res_v.at[pl.ds(0, _REQS_PER_WORKER)],
                        out_hbm.at[pl.ds(base, _REQS_PER_WORKER)])

    return body(table, pool_idx, prefix_lens)


def kernel(req_to_token, req_pool_indices_tensor, prefix_lens_tensor):
    table = req_to_token.astype(jnp.int32)
    pool = req_pool_indices_tensor.astype(jnp.int32)
    lens = prefix_lens_tensor.astype(jnp.int32)
    res = _last_loc_sc(table, pool, lens)
    return res.astype(req_to_token.dtype)

# --- scband reference (transcript-rebuilt; emitter-appended) ---
"""Pipeline reference for scband-model-24799141167556 (READ-ONLY COPY).

The authoritative reference and input builder live on the scoring server;
editing this copy changes nothing except your own understanding.
"""

import jax, jax.numpy as jnp
import numpy as np


def setup_inputs(seed: int = 0) -> dict:
    key = jax.random.key(seed)
    k1, k2, k3 = jax.random.split(key, 3)
    req_to_token = jax.random.randint(k1, (4096, 8192), 0, 1000000, dtype=jnp.int64)
    req_pool_indices_tensor = jax.random.randint(k2, (128,), 0, 4096, dtype=jnp.int64)
    prefix_lens_tensor = jax.random.randint(k3, (128,), 0, 8192, dtype=jnp.int64)
    return {
        "req_to_token": req_to_token,
        "req_pool_indices_tensor": req_pool_indices_tensor,
        "prefix_lens_tensor": prefix_lens_tensor,
    }


def reference(req_to_token, req_pool_indices_tensor, prefix_lens_tensor):
    # Faithful translation of get_last_loc_triton_impl:
    # for each request i:
    #   if prefix_lens[i] > 0:
    #       result[i] = req_to_token[req_pool_indices[i], prefix_lens[i] - 1]
    #   else:
    #       result[i] = -1
    stride = req_to_token.shape[1]
    token_index = req_pool_indices_tensor * stride + (prefix_lens_tensor - 1)
    # clamp to valid range; masked-out lanes (prefix_len == 0) are overwritten with -1
    flat = req_to_token.reshape(-1)
    safe_index = jnp.clip(token_index, 0, flat.shape[0] - 1)
    tokens = jnp.take(flat, safe_index)
    token_mask = prefix_lens_tensor > 0
    result = jnp.where(token_mask, tokens, jnp.array(-1, dtype=req_to_token.dtype))
    return result

if __name__ == "__main__":
    import jax
    _d = setup_inputs()
    print(jax.jit(kernel)(*tuple(_d.values())))

</pallas_src>

<mosaic_0001>
#map = affine_map<(d0, d1) -> (0, 0)>
#map1 = affine_map<(d0, d1) -> (0)>
module attributes {stable_mosaic.version = 14 : i64} {
  func.func @body(%arg0: i32, %arg1: i32, %arg2: memref<4096x8192xi32, #tpu.memory_space<hbm>>, %arg3: memref<128xi32, #tpu.memory_space<hbm>>, %arg4: memref<128xi32, #tpu.memory_space<hbm>>, %arg5: memref<128xi32, #tpu.memory_space<hbm>>, %arg6: memref<16xi32, #tpu.memory_space<vmem>>, %arg7: memref<16xi32, #tpu.memory_space<vmem>>, %arg8: memref<16xi32, #tpu.memory_space<vmem>>, %arg9: memref<64x128xi32, #tpu.memory_space<vmem>>, %arg10: memref<!tpu.dma_semaphore, #tpu.memory_space<semaphore_mem>>, %arg11: memref<!tpu.dma_semaphore, #tpu.memory_space<semaphore_mem>>) attributes {dimension_semantics = [#tpu.dimension_semantics<core_parallel>, #tpu.dimension_semantics<subcore_parallel>], iteration_bounds = array<i64: 1, 16>, scalar_prefetch = 0 : i64, scratch_operands = 6 : i64, tpu.core_type = #tpu.core_type<sc_vector_subcore>, window_params = [{transform_indices = #map}, {transform_indices = #map1}, {transform_indices = #map1}, {transform_indices = #map1}]} {
    %mul3A = arith.constant 1 : i32
    %mul3A_0 = arith.muli %arg1, %mul3A : i32
    %add3A = arith.addi %mul3A_0, %arg0 : i32
    %mul3A_1 = arith.constant 8 : i32
    %mul3A_2 = arith.muli %add3A, %mul3A_1 : i32
    %dma_start3A = arith.constant 0 : i32
    %dma_start3A_3 = tpu.memref_slice %arg6[%dma_start3A] : memref<16xi32, #tpu.memory_space<vmem>> -> memref<8xi32, #tpu.memory_space<vmem>>
    %dma_start3A_4 = tpu.memref_slice %arg3[%mul3A_2] : memref<128xi32, #tpu.memory_space<hbm>> -> memref<8xi32, #tpu.memory_space<hbm>>
    %dma_start3A_5 = arith.constant 0 : i32
    %dma_start3A_6 = tpu.memref_slice %arg6[%dma_start3A_5] : memref<16xi32, #tpu.memory_space<vmem>> -> memref<8xi32, #tpu.memory_space<vmem>>
    %dma_start3A_7 = tpu.memref_slice %arg3[%mul3A_2] : memref<128xi32, #tpu.memory_space<hbm>> -> memref<8xi32, #tpu.memory_space<hbm>>
    tpu.enqueue_dma source(%dma_start3A_7 : memref<8xi32, #tpu.memory_space<hbm>>) target(%dma_start3A_6 : memref<8xi32, #tpu.memory_space<vmem>>) target_semaphore(%arg10 : memref<!tpu.dma_semaphore, #tpu.memory_space<semaphore_mem>>)
    %dma_start3A_8 = arith.constant 0 : i32
    %dma_start3A_9 = tpu.memref_slice %arg7[%dma_start3A_8] : memref<16xi32, #tpu.memory_space<vmem>> -> memref<8xi32, #tpu.memory_space<vmem>>
    %dma_start3A_10 = tpu.memref_slice %arg4[%mul3A_2] : memref<128xi32, #tpu.memory_space<hbm>> -> memref<8xi32, #tpu.memory_space<hbm>>
    %dma_start3A_11 = arith.constant 0 : i32
    %dma_start3A_12 = tpu.memref_slice %arg7[%dma_start3A_11] : memref<16xi32, #tpu.memory_space<vmem>> -> memref<8xi32, #tpu.memory_space<vmem>>
    %dma_start3A_13 = tpu.memref_slice %arg4[%mul3A_2] : memref<128xi32, #tpu.memory_space<hbm>> -> memref<8xi32, #tpu.memory_space<hbm>>
    tpu.enqueue_dma source(%dma_start3A_13 : memref<8xi32, #tpu.memory_space<hbm>>) target(%dma_start3A_12 : memref<8xi32, #tpu.memory_space<vmem>>) target_semaphore(%arg10 : memref<!tpu.dma_semaphore, #tpu.memory_space<semaphore_mem>>)
    %dma_wait3A = arith.constant 0 : i32
    %dma_wait3A_14 = tpu.memref_slice %arg6[%dma_wait3A] : memref<16xi32, #tpu.memory_space<vmem>> -> memref<8xi32, #tpu.memory_space<vmem>>
    %dma_wait3A_15 = tpu.memref_slice %arg3[%mul3A_2] : memref<128xi32, #tpu.memory_space<hbm>> -> memref<8xi32, #tpu.memory_space<hbm>>
    %dma_wait3A_16 = arith.constant 0 : i32
    %dma_wait3A_17 = tpu.memref_slice %arg6[%dma_wait3A_16] : memref<16xi32, #tpu.memory_space<vmem>> -> memref<8xi32, #tpu.memory_space<vmem>>
    %dma_wait3A_18 = tpu.memref_slice %arg3[%mul3A_2] : memref<128xi32, #tpu.memory_space<hbm>> -> memref<8xi32, #tpu.memory_space<hbm>>
    tpu.wait_dma2 semaphore(%arg10 : memref<!tpu.dma_semaphore, #tpu.memory_space<semaphore_mem>>) src(%dma_wait3A_18 : memref<8xi32, #tpu.memory_space<hbm>>) dst(%dma_wait3A_17 : memref<8xi32, #tpu.memory_space<vmem>>)
    %dma_wait3A_19 = arith.constant 0 : i32
    %dma_wait3A_20 = tpu.memref_slice %arg7[%dma_wait3A_19] : memref<16xi32, #tpu.memory_space<vmem>> -> memref<8xi32, #tpu.memory_space<vmem>>
    %dma_wait3A_21 = tpu.memref_slice %arg4[%mul3A_2] : memref<128xi32, #tpu.memory_space<hbm>> -> memref<8xi32, #tpu.memory_space<hbm>>
    %dma_wait3A_22 = arith.constant 0 : i32
    %dma_wait3A_23 = tpu.memref_slice %arg7[%dma_wait3A_22] : memref<16xi32, #tpu.memory_space<vmem>> -> memref<8xi32, #tpu.memory_space<vmem>>
    %dma_wait3A_24 = tpu.memref_slice %arg4[%mul3A_2] : memref<128xi32, #tpu.memory_space<hbm>> -> memref<8xi32, #tpu.memory_space<hbm>>
    tpu.wait_dma2 semaphore(%arg10 : memref<!tpu.dma_semaphore, #tpu.memory_space<semaphore_mem>>) src(%dma_wait3A_24 : memref<8xi32, #tpu.memory_space<hbm>>) dst(%dma_wait3A_23 : memref<8xi32, #tpu.memory_space<vmem>>)
    %get3A = arith.constant 0 : index
    %get3A_25 = tpu.vector_load %arg7[%get3A] {strides = array<i32>} : memref<16xi32, #tpu.memory_space<vmem>>, vector<16xi32>,
    %get3A_26 = arith.constant 0 : index
    %get3A_27 = tpu.vector_load %arg6[%get3A_26] {strides = array<i32>} : memref<16xi32, #tpu.memory_space<vmem>>, vector<16xi32>,
    %mul3A_28 = arith.constant 8192 : i32
    %mul3A_29 = vector.broadcast %mul3A_28 : i32 to vector<16xi32>
    %mul3A_30 = arith.muli %get3A_27, %mul3A_29 : vector<16xi32>
    %sub3A = arith.constant 1 : i32
    %sub3A_31 = vector.broadcast %sub3A : i32 to vector<16xi32>
    %sub3A_32 = arith.subi %get3A_25, %sub3A_31 : vector<16xi32>
    %add3A_33 = arith.addi %mul3A_30, %sub3A_32 : vector<16xi32>
    %jit3A = arith.constant 0 : i32
    %jit3A_34 = arith.constant 33554431 : i32
    %max3A = vector.broadcast %jit3A : i32 to vector<16xi32>
    %max3A_35 = arith.maxsi %max3A, %add3A_33 : vector<16xi32>
    %min3A = vector.broadcast %jit3A_34 : i32 to vector<16xi32>
    %min3A_36 = arith.minsi %min3A, %max3A_35 : vector<16xi32>
    %iota3A = tpu.iota {dimensions = array<i32: 0>} : vector<16xi32>
    %eq3A = arith.constant 0 : i32
    %eq3A_37 = vector.broadcast %eq3A : i32 to vector<16xi32>
    %eq3A_38 = arith.cmpi eq, %iota3A, %eq3A_37 : vector<16xi32>
    %jit3A_39 = arith.constant 0 : i32
    %broadcast_in_dim3A = vector.broadcast %jit3A_39 : i32 to vector<16xi32>
    %select_n3A = arith.select %eq3A_38, %min3A_36, %broadcast_in_dim3A : vector<16xi1>, vector<16xi32>
    %reduce_max3A = arith.constant true
    %reduce_max3A_40 = vector.broadcast %reduce_max3A : i1 to vector<16xi1>
    %reduce_max3A_41 = arith.constant -2147483648 : i32
    %reduce_max3A_42 = vector.broadcast %reduce_max3A_41 : i32 to vector<16xi32>
    %reduce_max3A_43 = arith.xori %select_n3A, %reduce_max3A_42 : vector<16xi32>
    %reduce_max3A_44 = tpu.scan <max>, %reduce_max3A_43 masked %reduce_max3A_40 : vector<16xi32>, vector<16xi1> -> vector<16xi32>
    %reduce_max3A_45 = arith.xori %reduce_max3A_44, %reduce_max3A_42 : vector<16xi32>
    %reduce_max3A_46 = vector.extract %reduce_max3A_45[15] : i32 from vector<16xi32>
    %shift_right_logical3A = arith.constant 13 : i32
    %shift_right_logical3A_47 = arith.shrui %reduce_max3A_46, %shift_right_logical3A : i32
    %and3A = arith.constant -8 : i32
    %and3A_48 = arith.andi %shift_right_logical3A_47, %and3A : i32
    %multiple_of3A = tpu.assume_multiple %and3A_48, 8 : i32
    %and3A_49 = arith.constant 8064 : i32
    %and3A_50 = arith.andi %reduce_max3A_46, %and3A_49 : i32
    %multiple_of3A_51 = tpu.assume_multiple %and3A_50, 128 : i32
    %dma_start3A_52 = arith.constant 0 : i32
    %dma_start3A_53 = arith.constant 0 : i32
    %dma_start3A_54 = tpu.memref_slice %arg9[%dma_start3A_52, %dma_start3A_53] : memref<64x128xi32, #tpu.memory_space<vmem>> -> memref<8x128xi32, #tpu.memory_space<vmem>>
    %dma_start3A_55 = tpu.memref_slice %arg2[%multiple_of3A, %multiple_of3A_51] : memref<4096x8192xi32, #tpu.memory_space<hbm>> -> memref<8x128xi32, #tpu.memory_space<hbm>>
    %dma_start3A_56 = arith.constant 0 : i32
    %dma_start3A_57 = arith.constant 0 : i32
    %dma_start3A_58 = tpu.memref_slice %arg9[%dma_start3A_56, %dma_start3A_57] : memref<64x128xi32, #tpu.memory_space<vmem>> -> memref<8x128xi32, #tpu.memory_space<vmem>>
    %dma_start3A_59 = tpu.memref_slice %arg2[%multiple_of3A, %multiple_of3A_51] : memref<4096x8192xi32, #tpu.memory_space<hbm>> -> memref<8x128xi32, #tpu.memory_space<hbm>>
    tpu.enqueue_dma source(%dma_start3A_59 : memref<8x128xi32, #tpu.memory_space<hbm>>) target(%dma_start3A_58 : memref<8x128xi32, #tpu.memory_space<vmem>>) target_semaphore(%arg11 : memref<!tpu.dma_semaphore, #tpu.memory_space<semaphore_mem>>)
    %eq3A_60 = arith.constant 1 : i32
    %eq3A_61 = vector.broadcast %eq3A_60 : i32 to vector<16xi32>
    %eq3A_62 = arith.cmpi eq, %iota3A, %eq3A_61 : vector<16xi32>
    %jit3A_63 = arith.constant 0 : i32
    %broadcast_in_dim3A_64 = vector.broadcast %jit3A_63 : i32 to vector<16xi32>
    %select_n3A_65 = arith.select %eq3A_62, %min3A_36, %broadcast_in_dim3A_64 : vector<16xi1>, vector<16xi32>
    %reduce_max3A_66 = arith.constant true
    %reduce_max3A_67 = vector.broadcast %reduce_max3A_66 : i1 to vector<16xi1>
    %reduce_max3A_68 = arith.constant -2147483648 : i32
    %reduce_max3A_69 = vector.broadcast %reduce_max3A_68 : i32 to vector<16xi32>
    %reduce_max3A_70 = arith.xori %select_n3A_65, %reduce_max3A_69 : vector<16xi32>
    %reduce_max3A_71 = tpu.scan <max>, %reduce_max3A_70 masked %reduce_max3A_67 : vector<16xi32>, vector<16xi1> -> vector<16xi32>
    %reduce_max3A_72 = arith.xori %reduce_max3A_71, %reduce_max3A_69 : vector<16xi32>
    %reduce_max3A_73 = vector.extract %reduce_max3A_72[15] : i32 from vector<16xi32>
    %shift_right_logical3A_74 = arith.constant 13 : i32
    %shift_right_logical3A_75 = arith.shrui %reduce_max3A_73, %shift_right_logical3A_74 : i32
    %and3A_76 = arith.constant -8 : i32
    %and3A_77 = arith.andi %shift_right_logical3A_75, %and3A_76 : i32
    %multiple_of3A_78 = tpu.assume_multiple %and3A_77, 8 : i32
    %and3A_79 = arith.constant 8064 : i32
    %and3A_80 = arith.andi %reduce_max3A_73, %and3A_79 : i32
    %multiple_of3A_81 = tpu.assume_multiple %and3A_80, 128 : i32
    %dma_start3A_82 = arith.constant 8 : i32
    %dma_start3A_83 = arith.constant 0 : i32
    %dma_start3A_84 = tpu.memref_slice %arg9[%dma_start3A_82, %dma_start3A_83] : memref<64x128xi32, #tpu.memory_space<vmem>> -> memref<8x128xi32, #tpu.memory_space<vmem>>
    %dma_start3A_85 = tpu.memref_slice %arg2[%multiple_of3A_78, %multiple_of3A_81] : memref<4096x8192xi32, #tpu.memory_space<hbm>> -> memref<8x128xi32, #tpu.memory_space<hbm>>
    %dma_start3A_86 = arith.constant 8 : i32
    %dma_start3A_87 = arith.constant 0 : i32
    %dma_start3A_88 = tpu.memref_slice %arg9[%dma_start3A_86, %dma_start3A_87] : memref<64x128xi32, #tpu.memory_space<vmem>> -> memref<8x128xi32, #tpu.memory_space<vmem>>
    %dma_start3A_89 = tpu.memref_slice %arg2[%multiple_of3A_78, %multiple_of3A_81] : memref<4096x8192xi32, #tpu.memory_space<hbm>> -> memref<8x128xi32, #tpu.memory_space<hbm>>
    tpu.enqueue_dma source(%dma_start3A_89 : memref<8x128xi32, #tpu.memory_space<hbm>>) target(%dma_start3A_88 : memref<8x128xi32, #tpu.memory_space<vmem>>) target_semaphore(%arg11 : memref<!tpu.dma_semaphore, #tpu.memory_space<semaphore_mem>>)
    %eq3A_90 = arith.constant 2 : i32
    %eq3A_91 = vector.broadcast %eq3A_90 : i32 to vector<16xi32>
    %eq3A_92 = arith.cmpi eq, %iota3A, %eq3A_91 : vector<16xi32>
    %jit3A_93 = arith.constant 0 : i32
    %broadcast_in_dim3A_94 = vector.broadcast %jit3A_93 : i32 to vector<16xi32>
    %select_n3A_95 = arith.select %eq3A_92, %min3A_36, %broadcast_in_dim3A_94 : vector<16xi1>, vector<16xi32>
    %reduce_max3A_96 = arith.constant true
    %reduce_max3A_97 = vector.broadcast %reduce_max3A_96 : i1 to vector<16xi1>
    %reduce_max3A_98 = arith.constant -2147483648 : i32
    %reduce_max3A_99 = vector.broadcast %reduce_max3A_98 : i32 to vector<16xi32>
    %reduce_max3A_100 = arith.xori %select_n3A_95, %reduce_max3A_99 : vector<16xi32>
    %reduce_max3A_101 = tpu.scan <max>, %reduce_max3A_100 masked %reduce_max3A_97 : vector<16xi32>, vector<16xi1> -> vector<16xi32>
    %reduce_max3A_102 = arith.xori %reduce_max3A_101, %reduce_max3A_99 : vector<16xi32>
    %reduce_max3A_103 = vector.extract %reduce_max3A_102[15] : i32 from vector<16xi32>
    %shift_right_logical3A_104 = arith.constant 13 : i32
    %shift_right_logical3A_105 = arith.shrui %reduce_max3A_103, %shift_right_logical3A_104 : i32
    %and3A_106 = arith.constant -8 : i32
    %and3A_107 = arith.andi %shift_right_logical3A_105, %and3A_106 : i32
    %multiple_of3A_108 = tpu.assume_multiple %and3A_107, 8 : i32
    %and3A_109 = arith.constant 8064 : i32
    %and3A_110 = arith.andi %reduce_max3A_103, %and3A_109 : i32
    %multiple_of3A_111 = tpu.assume_multiple %and3A_110, 128 : i32
    %dma_start3A_112 = arith.constant 16 : i32
    %dma_start3A_113 = arith.constant 0 : i32
    %dma_start3A_114 = tpu.memref_slice %arg9[%dma_start3A_112, %dma_start3A_113] : memref<64x128xi32, #tpu.memory_space<vmem>> -> memref<8x128xi32, #tpu.memory_space<vmem>>
    %dma_start3A_115 = tpu.memref_slice %arg2[%multiple_of3A_108, %multiple_of3A_111] : memref<4096x8192xi32, #tpu.memory_space<hbm>> -> memref<8x128xi32, #tpu.memory_space<hbm>>
    %dma_start3A_116 = arith.constant 16 : i32
    %dma_start3A_117 = arith.constant 0 : i32
    %dma_start3A_118 = tpu.memref_slice %arg9[%dma_start3A_116, %dma_start3A_117] : memref<64x128xi32, #tpu.memory_space<vmem>> -> memref<8x128xi32, #tpu.memory_space<vmem>>
    %dma_start3A_119 = tpu.memref_slice %arg2[%multiple_of3A_108, %multiple_of3A_111] : memref<4096x8192xi32, #tpu.memory_space<hbm>> -> memref<8x128xi32, #tpu.memory_space<hbm>>
    tpu.enqueue_dma source(%dma_start3A_119 : memref<8x128xi32, #tpu.memory_space<hbm>>) target(%dma_start3A_118 : memref<8x128xi32, #tpu.memory_space<vmem>>) target_semaphore(%arg11 : memref<!tpu.dma_semaphore, #tpu.memory_space<semaphore_mem>>)
    %eq3A_120 = arith.constant 3 : i32
    %eq3A_121 = vector.broadcast %eq3A_120 : i32 to vector<16xi32>
    %eq3A_122 = arith.cmpi eq, %iota3A, %eq3A_121 : vector<16xi32>
    %jit3A_123 = arith.constant 0 : i32
    %broadcast_in_dim3A_124 = vector.broadcast %jit3A_123 : i32 to vector<16xi32>
    %select_n3A_125 = arith.select %eq3A_122, %min3A_36, %broadcast_in_dim3A_124 : vector<16xi1>, vector<16xi32>
    %reduce_max3A_126 = arith.constant true
    %reduce_max3A_127 = vector.broadcast %reduce_max3A_126 : i1 to vector<16xi1>
    %reduce_max3A_128 = arith.constant -2147483648 : i32
    %reduce_max3A_129 = vector.broadcast %reduce_max3A_128 : i32 to vector<16xi32>
    %reduce_max3A_130 = arith.xori %select_n3A_125, %reduce_max3A_129 : vector<16xi32>
    %reduce_max3A_131 = tpu.scan <max>, %reduce_max3A_130 masked %reduce_max3A_127 : vector<16xi32>, vector<16xi1> -> vector<16xi32>
    %reduce_max3A_132 = arith.xori %reduce_max3A_131, %reduce_max3A_129 : vector<16xi32>
    %reduce_max3A_133 = vector.extract %reduce_max3A_132[15] : i32 from vector<16xi32>
    %shift_right_logical3A_134 = arith.constant 13 : i32
    %shift_right_logical3A_135 = arith.shrui %reduce_max3A_133, %shift_right_logical3A_134 : i32
    %and3A_136 = arith.constant -8 : i32
    %and3A_137 = arith.andi %shift_right_logical3A_135, %and3A_136 : i32
    %multiple_of3A_138 = tpu.assume_multiple %and3A_137, 8 : i32
    %and3A_139 = arith.constant 8064 : i32
    %and3A_140 = arith.andi %reduce_max3A_133, %and3A_139 : i32
    %multiple_of3A_141 = tpu.assume_multiple %and3A_140, 128 : i32
    %dma_start3A_142 = arith.constant 24 : i32
    %dma_start3A_143 = arith.constant 0 : i32
    %dma_start3A_144 = tpu.memref_slice %arg9[%dma_start3A_142, %dma_start3A_143] : memref<64x128xi32, #tpu.memory_space<vmem>> -> memref<8x128xi32, #tpu.memory_space<vmem>>
    %dma_start3A_145 = tpu.memref_slice %arg2[%multiple_of3A_138, %multiple_of3A_141] : memref<4096x8192xi32, #tpu.memory_space<hbm>> -> memref<8x128xi32, #tpu.memory_space<hbm>>
    %dma_start3A_146 = arith.constant 24 : i32
    %dma_start3A_147 = arith.constant 0 : i32
    %dma_start3A_148 = tpu.memref_slice %arg9[%dma_start3A_146, %dma_start3A_147] : memref<64x128xi32, #tpu.memory_space<vmem>> -> memref<8x128xi32, #tpu.memory_space<vmem>>
    %dma_start3A_149 = tpu.memref_slice %arg2[%multiple_of3A_138, %multiple_of3A_141] : memref<4096x8192xi32, #tpu.memory_space<hbm>> -> memref<8x128xi32, #tpu.memory_space<hbm>>
    tpu.enqueue_dma source(%dma_start3A_149 : memref<8x128xi32, #tpu.memory_space<hbm>>) target(%dma_start3A_148 : memref<8x128xi32, #tpu.memory_space<vmem>>) target_semaphore(%arg11 : memref<!tpu.dma_semaphore, #tpu.memory_space<semaphore_mem>>)
    %eq3A_150 = arith.constant 4 : i32
    %eq3A_151 = vector.broadcast %eq3A_150 : i32 to vector<16xi32>
    %eq3A_152 = arith.cmpi eq, %iota3A, %eq3A_151 : vector<16xi32>
    %jit3A_153 = arith.constant 0 : i32
    %broadcast_in_dim3A_154 = vector.broadcast %jit3A_153 : i32 to vector<16xi32>
    %select_n3A_155 = arith.select %eq3A_152, %min3A_36, %broadcast_in_dim3A_154 : vector<16xi1>, vector<16xi32>
    %reduce_max3A_156 = arith.constant true
    %reduce_max3A_157 = vector.broadcast %reduce_max3A_156 : i1 to vector<16xi1>
    %reduce_max3A_158 = arith.constant -2147483648 : i32
    %reduce_max3A_159 = vector.broadcast %reduce_max3A_158 : i32 to vector<16xi32>
    %reduce_max3A_160 = arith.xori %select_n3A_155, %reduce_max3A_159 : vector<16xi32>
    %reduce_max3A_161 = tpu.scan <max>, %reduce_max3A_160 masked %reduce_max3A_157 : vector<16xi32>, vector<16xi1> -> vector<16xi32>
    %reduce_max3A_162 = arith.xori %reduce_max3A_161, %reduce_max3A_159 : vector<16xi32>
    %reduce_max3A_163 = vector.extract %reduce_max3A_162[15] : i32 from vector<16xi32>
    %shift_right_logical3A_164 = arith.constant 13 : i32
    %shift_right_logical3A_165 = arith.shrui %reduce_max3A_163, %shift_right_logical3A_164 : i32
    %and3A_166 = arith.constant -8 : i32
    %and3A_167 = arith.andi %shift_right_logical3A_165, %and3A_166 : i32
    %multiple_of3A_168 = tpu.assume_multiple %and3A_167, 8 : i32
    %and3A_169 = arith.constant 8064 : i32
    %and3A_170 = arith.andi %reduce_max3A_163, %and3A_169 : i32
    %multiple_of3A_171 = tpu.assume_multiple %and3A_170, 128 : i32
    %dma_start3A_172 = arith.constant 32 : i32
    %dma_start3A_173 = arith.constant 0 : i32
    %dma_start3A_174 = tpu.memref_slice %arg9[%dma_start3A_172, %dma_start3A_173] : memref<64x128xi32, #tpu.memory_space<vmem>> -> memref<8x128xi32, #tpu.memory_space<vmem>>
    %dma_start3A_175 = tpu.memref_slice %arg2[%multiple_of3A_168, %multiple_of3A_171] : memref<4096x8192xi32, #tpu.memory_space<hbm>> -> memref<8x128xi32, #tpu.memory_space<hbm>>
    %dma_start3A_176 = arith.constant 32 : i32
    %dma_start3A_177 = arith.constant 0 : i32
    %dma_start3A_178 = tpu.memref_slice %arg9[%dma_start3A_176, %dma_start3A_177] : memref<64x128xi32, #tpu.memory_space<vmem>> -> memref<8x128xi32, #tpu.memory_space<vmem>>
    %dma_start3A_179 = tpu.memref_slice %arg2[%multiple_of3A_168, %multiple_of3A_171] : memref<4096x8192xi32, #tpu.memory_space<hbm>> -> memref<8x128xi32, #tpu.memory_space<hbm>>
    tpu.enqueue_dma source(%dma_start3A_179 : memref<8x128xi32, #tpu.memory_space<hbm>>) target(%dma_start3A_178 : memref<8x128xi32, #tpu.memory_space<vmem>>) target_semaphore(%arg11 : memref<!tpu.dma_semaphore, #tpu.memory_space<semaphore_mem>>)
    %eq3A_180 = arith.constant 5 : i32
    %eq3A_181 = vector.broadcast %eq3A_180 : i32 to vector<16xi32>
    %eq3A_182 = arith.cmpi eq, %iota3A, %eq3A_181 : vector<16xi32>
    %jit3A_183 = arith.constant 0 : i32
    %broadcast_in_dim3A_184 = vector.broadcast %jit3A_183 : i32 to vector<16xi32>
    %select_n3A_185 = arith.select %eq3A_182, %min3A_36, %broadcast_in_dim3A_184 : vector<16xi1>, vector<16xi32>
    %reduce_max3A_186 = arith.constant true
    %reduce_max3A_187 = vector.broadcast %reduce_max3A_186 : i1 to vector<16xi1>
    %reduce_max3A_188 = arith.constant -2147483648 : i32
    %reduce_max3A_189 = vector.broadcast %reduce_max3A_188 : i32 to vector<16xi32>
    %reduce_max3A_190 = arith.xori %select_n3A_185, %reduce_max3A_189 : vector<16xi32>
    %reduce_max3A_191 = tpu.scan <max>, %reduce_max3A_190 masked %reduce_max3A_187 : vector<16xi32>, vector<16xi1> -> vector<16xi32>
    %reduce_max3A_192 = arith.xori %reduce_max3A_191, %reduce_max3A_189 : vector<16xi32>
    %reduce_max3A_193 = vector.extract %reduce_max3A_192[15] : i32 from vector<16xi32>
    %shift_right_logical3A_194 = arith.constant 13 : i32
    %shift_right_logical3A_195 = arith.shrui %reduce_max3A_193, %shift_right_logical3A_194 : i32
    %and3A_196 = arith.constant -8 : i32
    %and3A_197 = arith.andi %shift_right_logical3A_195, %and3A_196 : i32
    %multiple_of3A_198 = tpu.assume_multiple %and3A_197, 8 : i32
    %and3A_199 = arith.constant 8064 : i32
    %and3A_200 = arith.andi %reduce_max3A_193, %and3A_199 : i32
    %multiple_of3A_201 = tpu.assume_multiple %and3A_200, 128 : i32
    %dma_start3A_202 = arith.constant 40 : i32
    %dma_start3A_203 = arith.constant 0 : i32
    %dma_start3A_204 = tpu.memref_slice %arg9[%dma_start3A_202, %dma_start3A_203] : memref<64x128xi32, #tpu.memory_space<vmem>> -> memref<8x128xi32, #tpu.memory_space<vmem>>
    %dma_start3A_205 = tpu.memref_slice %arg2[%multiple_of3A_198, %multiple_of3A_201] : memref<4096x8192xi32, #tpu.memory_space<hbm>> -> memref<8x128xi32, #tpu.memory_space<hbm>>
    %dma_start3A_206 = arith.constant 40 : i32
    %dma_start3A_207 = arith.constant 0 : i32
    %dma_start3A_208 = tpu.memref_slice %arg9[%dma_start3A_206, %dma_start3A_207] : memref<64x128xi32, #tpu.memory_space<vmem>> -> memref<8x128xi32, #tpu.memory_space<vmem>>
    %dma_start3A_209 = tpu.memref_slice %arg2[%multiple_of3A_198, %multiple_of3A_201] : memref<4096x8192xi32, #tpu.memory_space<hbm>> -> memref<8x128xi32, #tpu.memory_space<hbm>>
    tpu.enqueue_dma source(%dma_start3A_209 : memref<8x128xi32, #tpu.memory_space<hbm>>) target(%dma_start3A_208 : memref<8x128xi32, #tpu.memory_space<vmem>>) target_semaphore(%arg11 : memref<!tpu.dma_semaphore, #tpu.memory_space<semaphore_mem>>)
    %eq3A_210 = arith.constant 6 : i32
    %eq3A_211 = vector.broadcast %eq3A_210 : i32 to vector<16xi32>
    %eq3A_212 = arith.cmpi eq, %iota3A, %eq3A_211 : vector<16xi32>
    %jit3A_213 = arith.constant 0 : i32
    %broadcast_in_dim3A_214 = vector.broadcast %jit3A_213 : i32 to vector<16xi32>
    %select_n3A_215 = arith.select %eq3A_212, %min3A_36, %broadcast_in_dim3A_214 : vector<16xi1>, vector<16xi32>
    %reduce_max3A_216 = arith.constant true
    %reduce_max3A_217 = vector.broadcast %reduce_max3A_216 : i1 to vector<16xi1>
    %reduce_max3A_218 = arith.constant -2147483648 : i32
    %reduce_max3A_219 = vector.broadcast %reduce_max3A_218 : i32 to vector<16xi32>
    %reduce_max3A_220 = arith.xori %select_n3A_215, %reduce_max3A_219 : vector<16xi32>
    %reduce_max3A_221 = tpu.scan <max>, %reduce_max3A_220 masked %reduce_max3A_217 : vector<16xi32>, vector<16xi1> -> vector<16xi32>
    %reduce_max3A_222 = arith.xori %reduce_max3A_221, %reduce_max3A_219 : vector<16xi32>
    %reduce_max3A_223 = vector.extract %reduce_max3A_222[15] : i32 from vector<16xi32>
    %shift_right_logical3A_224 = arith.constant 13 : i32
    %shift_right_logical3A_225 = arith.shrui %reduce_max3A_223, %shift_right_logical3A_224 : i32
    %and3A_226 = arith.constant -8 : i32
    %and3A_227 = arith.andi %shift_right_logical3A_225, %and3A_226 : i32
    %multiple_of3A_228 = tpu.assume_multiple %and3A_227, 8 : i32
    %and3A_229 = arith.constant 8064 : i32
    %and3A_230 = arith.andi %reduce_max3A_223, %and3A_229 : i32
    %multiple_of3A_231 = tpu.assume_multiple %and3A_230, 128 : i32
    %dma_start3A_232 = arith.constant 48 : i32
    %dma_start3A_233 = arith.constant 0 : i32
    %dma_start3A_234 = tpu.memref_slice %arg9[%dma_start3A_232, %dma_start3A_233] : memref<64x128xi32, #tpu.memory_space<vmem>> -> memref<8x128xi32, #tpu.memory_space<vmem>>
    %dma_start3A_235 = tpu.memref_slice %arg2[%multiple_of3A_228, %multiple_of3A_231] : memref<4096x8192xi32, #tpu.memory_space<hbm>> -> memref<8x128xi32, #tpu.memory_space<hbm>>
    %dma_start3A_236 = arith.constant 48 : i32
    %dma_start3A_237 = arith.constant 0 : i32
    %dma_start3A_238 = tpu.memref_slice %arg9[%dma_start3A_236, %dma_start3A_237] : memref<64x128xi32, #tpu.memory_space<vmem>> -> memref<8x128xi32, #tpu.memory_space<vmem>>
    %dma_start3A_239 = tpu.memref_slice %arg2[%multiple_of3A_228, %multiple_of3A_231] : memref<4096x8192xi32, #tpu.memory_space<hbm>> -> memref<8x128xi32, #tpu.memory_space<hbm>>
    tpu.enqueue_dma source(%dma_start3A_239 : memref<8x128xi32, #tpu.memory_space<hbm>>) target(%dma_start3A_238 : memref<8x128xi32, #tpu.memory_space<vmem>>) target_semaphore(%arg11 : memref<!tpu.dma_semaphore, #tpu.memory_space<semaphore_mem>>)
    %eq3A_240 = arith.constant 7 : i32
    %eq3A_241 = vector.broadcast %eq3A_240 : i32 to vector<16xi32>
    %eq3A_242 = arith.cmpi eq, %iota3A, %eq3A_241 : vector<16xi32>
    %jit3A_243 = arith.constant 0 : i32
    %broadcast_in_dim3A_244 = vector.broadcast %jit3A_243 : i32 to vector<16xi32>
    %select_n3A_245 = arith.select %eq3A_242, %min3A_36, %broadcast_in_dim3A_244 : vector<16xi1>, vector<16xi32>
    %reduce_max3A_246 = arith.constant true
    %reduce_max3A_247 = vector.broadcast %reduce_max3A_246 : i1 to vector<16xi1>
    %reduce_max3A_248 = arith.constant -2147483648 : i32
    %reduce_max3A_249 = vector.broadcast %reduce_max3A_248 : i32 to vector<16xi32>
    %reduce_max3A_250 = arith.xori %select_n3A_245, %reduce_max3A_249 : vector<16xi32>
    %reduce_max3A_251 = tpu.scan <max>, %reduce_max3A_250 masked %reduce_max3A_247 : vector<16xi32>, vector<16xi1> -> vector<16xi32>
    %reduce_max3A_252 = arith.xori %reduce_max3A_251, %reduce_max3A_249 : vector<16xi32>
    %reduce_max3A_253 = vector.extract %reduce_max3A_252[15] : i32 from vector<16xi32>
    %shift_right_logical3A_254 = arith.constant 13 : i32
    %shift_right_logical3A_255 = arith.shrui %reduce_max3A_253, %shift_right_logical3A_254 : i32
    %and3A_256 = arith.constant -8 : i32
    %and3A_257 = arith.andi %shift_right_logical3A_255, %and3A_256 : i32
    %multiple_of3A_258 = tpu.assume_multiple %and3A_257, 8 : i32
    %and3A_259 = arith.constant 8064 : i32
    %and3A_260 = arith.andi %reduce_max3A_253, %and3A_259 : i32
    %multiple_of3A_261 = tpu.assume_multiple %and3A_260, 128 : i32
    %dma_start3A_262 = arith.constant 56 : i32
    %dma_start3A_263 = arith.constant 0 : i32
    %dma_start3A_264 = tpu.memref_slice %arg9[%dma_start3A_262, %dma_start3A_263] : memref<64x128xi32, #tpu.memory_space<vmem>> -> memref<8x128xi32, #tpu.memory_space<vmem>>
    %dma_start3A_265 = tpu.memref_slice %arg2[%multiple_of3A_258, %multiple_of3A_261] : memref<4096x8192xi32, #tpu.memory_space<hbm>> -> memref<8x128xi32, #tpu.memory_space<hbm>>
    %dma_start3A_266 = arith.constant 56 : i32
    %dma_start3A_267 = arith.constant 0 : i32
    %dma_start3A_268 = tpu.memref_slice %arg9[%dma_start3A_266, %dma_start3A_267] : memref<64x128xi32, #tpu.memory_space<vmem>> -> memref<8x128xi32, #tpu.memory_space<vmem>>
    %dma_start3A_269 = tpu.memref_slice %arg2[%multiple_of3A_258, %multiple_of3A_261] : memref<4096x8192xi32, #tpu.memory_space<hbm>> -> memref<8x128xi32, #tpu.memory_space<hbm>>
    tpu.enqueue_dma source(%dma_start3A_269 : memref<8x128xi32, #tpu.memory_space<hbm>>) target(%dma_start3A_268 : memref<8x128xi32, #tpu.memory_space<vmem>>) target_semaphore(%arg11 : memref<!tpu.dma_semaphore, #tpu.memory_space<semaphore_mem>>)
    %dma_wait3A_270 = arith.constant 0 : i32
    %dma_wait3A_271 = arith.constant 0 : i32
    %dma_wait3A_272 = tpu.memref_slice %arg9[%dma_wait3A_270, %dma_wait3A_271] : memref<64x128xi32, #tpu.memory_space<vmem>> -> memref<8x128xi32, #tpu.memory_space<vmem>>
    %dma_wait3A_273 = tpu.memref_slice %arg2[%multiple_of3A, %multiple_of3A_51] : memref<4096x8192xi32, #tpu.memory_space<hbm>> -> memref<8x128xi32, #tpu.memory_space<hbm>>
    %dma_wait3A_274 = arith.constant 0 : i32
    %dma_wait3A_275 = arith.constant 0 : i32
    %dma_wait3A_276 = tpu.memref_slice %arg9[%dma_wait3A_274, %dma_wait3A_275] : memref<64x128xi32, #tpu.memory_space<vmem>> -> memref<8x128xi32, #tpu.memory_space<vmem>>
    %dma_wait3A_277 = tpu.memref_slice %arg2[%multiple_of3A, %multiple_of3A_51] : memref<4096x8192xi32, #tpu.memory_space<hbm>> -> memref<8x128xi32, #tpu.memory_space<hbm>>
    tpu.wait_dma2 semaphore(%arg11 : memref<!tpu.dma_semaphore, #tpu.memory_space<semaphore_mem>>) src(%dma_wait3A_277 : memref<8x128xi32, #tpu.memory_space<hbm>>) dst(%dma_wait3A_276 : memref<8x128xi32, #tpu.memory_space<vmem>>)
    %dma_wait3A_278 = arith.constant 8 : i32
    %dma_wait3A_279 = arith.constant 0 : i32
    %dma_wait3A_280 = tpu.memref_slice %arg9[%dma_wait3A_278, %dma_wait3A_279] : memref<64x128xi32, #tpu.memory_space<vmem>> -> memref<8x128xi32, #tpu.memory_space<vmem>>
    %dma_wait3A_281 = tpu.memref_slice %arg2[%multiple_of3A_78, %multiple_of3A_81] : memref<4096x8192xi32, #tpu.memory_space<hbm>> -> memref<8x128xi32, #tpu.memory_space<hbm>>
    %dma_wait3A_282 = arith.constant 8 : i32
    %dma_wait3A_283 = arith.constant 0 : i32
    %dma_wait3A_284 = tpu.memref_slice %arg9[%dma_wait3A_282, %dma_wait3A_283] : memref<64x128xi32, #tpu.memory_space<vmem>> -> memref<8x128xi32, #tpu.memory_space<vmem>>
    %dma_wait3A_285 = tpu.memref_slice %arg2[%multiple_of3A_78, %multiple_of3A_81] : memref<4096x8192xi32, #tpu.memory_space<hbm>> -> memref<8x128xi32, #tpu.memory_space<hbm>>
    tpu.wait_dma2 semaphore(%arg11 : memref<!tpu.dma_semaphore, #tpu.memory_space<semaphore_mem>>) src(%dma_wait3A_285 : memref<8x128xi32, #tpu.memory_space<hbm>>) dst(%dma_wait3A_284 : memref<8x128xi32, #tpu.memory_space<vmem>>)
    %dma_wait3A_286 = arith.constant 16 : i32
    %dma_wait3A_287 = arith.constant 0 : i32
    %dma_wait3A_288 = tpu.memref_slice %arg9[%dma_wait3A_286, %dma_wait3A_287] : memref<64x128xi32, #tpu.memory_space<vmem>> -> memref<8x128xi32, #tpu.memory_space<vmem>>
    %dma_wait3A_289 = tpu.memref_slice %arg2[%multiple_of3A_108, %multiple_of3A_111] : memref<4096x8192xi32, #tpu.memory_space<hbm>> -> memref<8x128xi32, #tpu.memory_space<hbm>>
    %dma_wait3A_290 = arith.constant 16 : i32
    %dma_wait3A_291 = arith.constant 0 : i32
    %dma_wait3A_292 = tpu.memref_slice %arg9[%dma_wait3A_290, %dma_wait3A_291] : memref<64x128xi32, #tpu.memory_space<vmem>> -> memref<8x128xi32, #tpu.memory_space<vmem>>
    %dma_wait3A_293 = tpu.memref_slice %arg2[%multiple_of3A_108, %multiple_of3A_111] : memref<4096x8192xi32, #tpu.memory_space<hbm>> -> memref<8x128xi32, #tpu.memory_space<hbm>>
    tpu.wait_dma2 semaphore(%arg11 : memref<!tpu.dma_semaphore, #tpu.memory_space<semaphore_mem>>) src(%dma_wait3A_293 : memref<8x128xi32, #tpu.memory_space<hbm>>) dst(%dma_wait3A_292 : memref<8x128xi32, #tpu.memory_space<vmem>>)
    %dma_wait3A_294 = arith.constant 24 : i32
    %dma_wait3A_295 = arith.constant 0 : i32
    %dma_wait3A_296 = tpu.memref_slice %arg9[%dma_wait3A_294, %dma_wait3A_295] : memref<64x128xi32, #tpu.memory_space<vmem>> -> memref<8x128xi32, #tpu.memory_space<vmem>>
    %dma_wait3A_297 = tpu.memref_slice %arg2[%multiple_of3A_138, %multiple_of3A_141] : memref<4096x8192xi32, #tpu.memory_space<hbm>> -> memref<8x128xi32, #tpu.memory_space<hbm>>
    %dma_wait3A_298 = arith.constant 24 : i32
    %dma_wait3A_299 = arith.constant 0 : i32
    %dma_wait3A_300 = tpu.memref_slice %arg9[%dma_wait3A_298, %dma_wait3A_299] : memref<64x128xi32, #tpu.memory_space<vmem>> -> memref<8x128xi32, #tpu.memory_space<vmem>>
    %dma_wait3A_301 = tpu.memref_slice %arg2[%multiple_of3A_138, %multiple_of3A_141] : memref<4096x8192xi32, #tpu.memory_space<hbm>> -> memref<8x128xi32, #tpu.memory_space<hbm>>
    tpu.wait_dma2 semaphore(%arg11 : memref<!tpu.dma_semaphore, #tpu.memory_space<semaphore_mem>>) src(%dma_wait3A_301 : memref<8x128xi32, #tpu.memory_space<hbm>>) dst(%dma_wait3A_300 : memref<8x128xi32, #tpu.memory_space<vmem>>)
    %dma_wait3A_302 = arith.constant 32 : i32
    %dma_wait3A_303 = arith.constant 0 : i32
    %dma_wait3A_304 = tpu.memref_slice %arg9[%dma_wait3A_302, %dma_wait3A_303] : memref<64x128xi32, #tpu.memory_space<vmem>> -> memref<8x128xi32, #tpu.memory_space<vmem>>
    %dma_wait3A_305 = tpu.memref_slice %arg2[%multiple_of3A_168, %multiple_of3A_171] : memref<4096x8192xi32, #tpu.memory_space<hbm>> -> memref<8x128xi32, #tpu.memory_space<hbm>>
    %dma_wait3A_306 = arith.constant 32 : i32
    %dma_wait3A_307 = arith.constant 0 : i32
    %dma_wait3A_308 = tpu.memref_slice %arg9[%dma_wait3A_306, %dma_wait3A_307] : memref<64x128xi32, #tpu.memory_space<vmem>> -> memref<8x128xi32, #tpu.memory_space<vmem>>
    %dma_wait3A_309 = tpu.memref_slice %arg2[%multiple_of3A_168, %multiple_of3A_171] : memref<4096x8192xi32, #tpu.memory_space<hbm>> -> memref<8x128xi32, #tpu.memory_space<hbm>>
    tpu.wait_dma2 semaphore(%arg11 : memref<!tpu.dma_semaphore, #tpu.memory_space<semaphore_mem>>) src(%dma_wait3A_309 : memref<8x128xi32, #tpu.memory_space<hbm>>) dst(%dma_wait3A_308 : memref<8x128xi32, #tpu.memory_space<vmem>>)
    %dma_wait3A_310 = arith.constant 40 : i32
    %dma_wait3A_311 = arith.constant 0 : i32
    %dma_wait3A_312 = tpu.memref_slice %arg9[%dma_wait3A_310, %dma_wait3A_311] : memref<64x128xi32, #tpu.memory_space<vmem>> -> memref<8x128xi32, #tpu.memory_space<vmem>>
    %dma_wait3A_313 = tpu.memref_slice %arg2[%multiple_of3A_198, %multiple_of3A_201] : memref<4096x8192xi32, #tpu.memory_space<hbm>> -> memref<8x128xi32, #tpu.memory_space<hbm>>
    %dma_wait3A_314 = arith.constant 40 : i32
    %dma_wait3A_315 = arith.constant 0 : i32
    %dma_wait3A_316 = tpu.memref_slice %arg9[%dma_wait3A_314, %dma_wait3A_315] : memref<64x128xi32, #tpu.memory_space<vmem>> -> memref<8x128xi32, #tpu.memory_space<vmem>>
    %dma_wait3A_317 = tpu.memref_slice %arg2[%multiple_of3A_198, %multiple_of3A_201] : memref<4096x8192xi32, #tpu.memory_space<hbm>> -> memref<8x128xi32, #tpu.memory_space<hbm>>
    tpu.wait_dma2 semaphore(%arg11 : memref<!tpu.dma_semaphore, #tpu.memory_space<semaphore_mem>>) src(%dma_wait3A_317 : memref<8x128xi32, #tpu.memory_space<hbm>>) dst(%dma_wait3A_316 : memref<8x128xi32, #tpu.memory_space<vmem>>)
    %dma_wait3A_318 = arith.constant 48 : i32
    %dma_wait3A_319 = arith.constant 0 : i32
    %dma_wait3A_320 = tpu.memref_slice %arg9[%dma_wait3A_318, %dma_wait3A_319] : memref<64x128xi32, #tpu.memory_space<vmem>> -> memref<8x128xi32, #tpu.memory_space<vmem>>
    %dma_wait3A_321 = tpu.memref_slice %arg2[%multiple_of3A_228, %multiple_of3A_231] : memref<4096x8192xi32, #tpu.memory_space<hbm>> -> memref<8x128xi32, #tpu.memory_space<hbm>>
    %dma_wait3A_322 = arith.constant 48 : i32
    %dma_wait3A_323 = arith.constant 0 : i32
    %dma_wait3A_324 = tpu.memref_slice %arg9[%dma_wait3A_322, %dma_wait3A_323] : memref<64x128xi32, #tpu.memory_space<vmem>> -> memref<8x128xi32, #tpu.memory_space<vmem>>
    %dma_wait3A_325 = tpu.memref_slice %arg2[%multiple_of3A_228, %multiple_of3A_231] : memref<4096x8192xi32, #tpu.memory_space<hbm>> -> memref<8x128xi32, #tpu.memory_space<hbm>>
    tpu.wait_dma2 semaphore(%arg11 : memref<!tpu.dma_semaphore, #tpu.memory_space<semaphore_mem>>) src(%dma_wait3A_325 : memref<8x128xi32, #tpu.memory_space<hbm>>) dst(%dma_wait3A_324 : memref<8x128xi32, #tpu.memory_space<vmem>>)
    %dma_wait3A_326 = arith.constant 56 : i32
    %dma_wait3A_327 = arith.constant 0 : i32
    %dma_wait3A_328 = tpu.memref_slice %arg9[%dma_wait3A_326, %dma_wait3A_327] : memref<64x128xi32, #tpu.memory_space<vmem>> -> memref<8x128xi32, #tpu.memory_space<vmem>>
    %dma_wait3A_329 = tpu.memref_slice %arg2[%multiple_of3A_258, %multiple_of3A_261] : memref<4096x8192xi32, #tpu.memory_space<hbm>> -> memref<8x128xi32, #tpu.memory_space<hbm>>
    %dma_wait3A_330 = arith.constant 56 : i32
    %dma_wait3A_331 = arith.constant 0 : i32
    %dma_wait3A_332 = tpu.memref_slice %arg9[%dma_wait3A_330, %dma_wait3A_331] : memref<64x128xi32, #tpu.memory_space<vmem>> -> memref<8x128xi32, #tpu.memory_space<vmem>>
    %dma_wait3A_333 = tpu.memref_slice %arg2[%multiple_of3A_258, %multiple_of3A_261] : memref<4096x8192xi32, #tpu.memory_space<hbm>> -> memref<8x128xi32, #tpu.memory_space<hbm>>
    tpu.wait_dma2 semaphore(%arg11 : memref<!tpu.dma_semaphore, #tpu.memory_space<semaphore_mem>>) src(%dma_wait3A_333 : memref<8x128xi32, #tpu.memory_space<hbm>>) dst(%dma_wait3A_332 : memref<8x128xi32, #tpu.memory_space<vmem>>)
    %shift_right_logical3A_334 = arith.constant 13 : i32
    %shift_right_logical3A_335 = vector.broadcast %shift_right_logical3A_334 : i32 to vector<16xi32>
    %shift_right_logical3A_336 = arith.shrui %min3A_36, %shift_right_logical3A_335 : vector<16xi32>
    %and3A_337 = arith.constant 7 : i32
    %and3A_338 = vector.broadcast %and3A_337 : i32 to vector<16xi32>
    %and3A_339 = arith.andi %shift_right_logical3A_336, %and3A_338 : vector<16xi32>
    %and3A_340 = arith.constant 127 : i32
    %and3A_341 = vector.broadcast %and3A_340 : i32 to vector<16xi32>
    %and3A_342 = arith.andi %min3A_36, %and3A_341 : vector<16xi32>
    %and3A_343 = arith.constant 7 : i32
    %and3A_344 = vector.broadcast %and3A_343 : i32 to vector<16xi32>
    %and3A_345 = arith.andi %iota3A, %and3A_344 : vector<16xi32>
    %mul3A_346 = arith.constant 8 : i32
    %mul3A_347 = vector.broadcast %mul3A_346 : i32 to vector<16xi32>
    %mul3A_348 = arith.muli %and3A_345, %mul3A_347 : vector<16xi32>
    %add3A_349 = arith.addi %mul3A_348, %and3A_339 : vector<16xi32>
    %gather3A = tpu.vector_load_idx %arg9[%add3A_349, %and3A_342] : memref<64x128xi32, #tpu.memory_space<vmem>>[vector<16xi32>, vector<16xi32>], vector<16xi32>,
    %gt3A = arith.constant 0 : i32
    %gt3A_350 = vector.broadcast %gt3A : i32 to vector<16xi32>
    %gt3A_351 = arith.cmpi sgt, %get3A_25, %gt3A_350 : vector<16xi32>
    %jit3A_352 = arith.constant -1 : i32
    %broadcast_in_dim3A_353 = vector.broadcast %jit3A_352 : i32 to vector<16xi32>
    %select_n3A_354 = arith.select %gt3A_351, %gather3A, %broadcast_in_dim3A_353 : vector<16xi1>, vector<16xi32>
    %swap3A = arith.constant 0 : index
    %swap3A_355 = tpu.vector_load %arg8[%swap3A] {strides = array<i32>} : memref<16xi32, #tpu.memory_space<vmem>>, vector<16xi32>,
    tpu.vector_store %arg8[%swap3A], %select_n3A_354 {strides = array<i32>} : memref<16xi32, #tpu.memory_space<vmem>>, vector<16xi32>,
    "tpu.region"() ({
      %run_scoped3A = tpu.sem_alloc : memref<!tpu.dma_semaphore, #tpu.memory_space<semaphore_mem>>
      %dma_start3A_356 = arith.constant 0 : i32
      %dma_start3A_357 = tpu.memref_slice %arg8[%dma_start3A_356] : memref<16xi32, #tpu.memory_space<vmem>> -> memref<8xi32, #tpu.memory_space<vmem>>
      %dma_start3A_358 = tpu.memref_slice %arg5[%mul3A_2] : memref<128xi32, #tpu.memory_space<hbm>> -> memref<8xi32, #tpu.memory_space<hbm>>
      %dma_start3A_359 = tpu.memref_slice %arg5[%mul3A_2] : memref<128xi32, #tpu.memory_space<hbm>> -> memref<8xi32, #tpu.memory_space<hbm>>
      %dma_start3A_360 = arith.constant 0 : i32
      %dma_start3A_361 = tpu.memref_slice %arg8[%dma_start3A_360] : memref<16xi32, #tpu.memory_space<vmem>> -> memref<8xi32, #tpu.memory_space<vmem>>
      tpu.enqueue_dma source(%dma_start3A_361 : memref<8xi32, #tpu.memory_space<vmem>>) target(%dma_start3A_359 : memref<8xi32, #tpu.memory_space<hbm>>) target_semaphore(%run_scoped3A : memref<!tpu.dma_semaphore, #tpu.memory_space<semaphore_mem>>)
      %dma_wait3A_362 = arith.constant 0 : i32
      %dma_wait3A_363 = tpu.memref_slice %arg8[%dma_wait3A_362] : memref<16xi32, #tpu.memory_space<vmem>> -> memref<8xi32, #tpu.memory_space<vmem>>
      %dma_wait3A_364 = tpu.memref_slice %arg5[%mul3A_2] : memref<128xi32, #tpu.memory_space<hbm>> -> memref<8xi32, #tpu.memory_space<hbm>>
      %dma_wait3A_365 = tpu.memref_slice %arg5[%mul3A_2] : memref<128xi32, #tpu.memory_space<hbm>> -> memref<8xi32, #tpu.memory_space<hbm>>
      %dma_wait3A_366 = arith.constant 0 : i32
      %dma_wait3A_367 = tpu.memref_slice %arg8[%dma_wait3A_366] : memref<16xi32, #tpu.memory_space<vmem>> -> memref<8xi32, #tpu.memory_space<vmem>>
      tpu.wait_dma2 semaphore(%run_scoped3A : memref<!tpu.dma_semaphore, #tpu.memory_space<semaphore_mem>>) src(%dma_wait3A_367 : memref<8xi32, #tpu.memory_space<vmem>>) dst(%dma_wait3A_365 : memref<8xi32, #tpu.memory_space<hbm>>)
      tpu.yield
    }) : () -> ()
    return
  }
}

</mosaic_0001>

<sc_bundles>
// kernel: kernel.3.cloned.1.call-start
scs
__scs_entry_jumppad:
0x0: {  	(pc) =	sbr.rel $0x88, $3  }
0x1: {  	(tag) =	ssettag $0x0;
	lr =	simm.s32 $0x1  }
0x2: {  	[smem:$0x3F9E] =	sst lr;
	_ =	strace $0xD0000000  }
0x3: {  	_ = 	snop  }
0x4: {  	_ = 	snop  }
0x5: {  	_ = 	snop  }
0x6: {  	_ = 	snop  }
0x7: {  	_ = 	snop  }
__scs_overlays_trampoline_lowered:
0x8: {  	[smem:$0x3FAD] =	sst s0  }
0x9: {  	[smem:$0x3FAE] =	sst s1  }
0xa: {  	[smem:$0x3FAF] =	sst s2  }
0xb: {  	[smem:$0x3FB0] =	sst s3  }
0xc: {  	[smem:$0x3FB1] =	sst s4  }
0xd: {  	[smem:$0x3FB2] =	sst s5  }
0xe: {  	[smem:$0x3FB3] =	sst s6  }
0xf: {  	[smem:$0x3FB4] =	sst s7  }
0x10: {  	[smem:$0x3FB5] =	sst s8  }
0x11: {  	[smem:$0x3FB6] =	sst s9;
	s0 =	simm.s32 @!p0 $0x0  }
0x12: {  	s1 =	sld [smem:$0x3F9C];
	s0 =	simm.s32 @p0 $0x1  }
0x13: {  	[smem:$0x3FB7] =	sst s0;
	s0 =	simm.s32 @!p1 $0x0  }
0x14: {  	s2 =	sld [smem:$0x3F9B];
	s0 =	simm.s32 @p1 $0x1  }
0x15: {  	[smem:$0x3FB8] =	sst s0;
	s0 =	simm.s32 @!p2 $0x0  }
0x16: {  	s3 =	sld [smem:$0x3FDB];
	s0 =	simm.s32 @p2 $0x1  }
0x17: {  	s4 =	simm.s32 $0x1BF5;
	[smem:$0x3FBA] =	sst s0  }
0x18: {  	s0 =	sld [smem:$0x3F9D];
	_ =	swait.ge [sflag:s4], $0x0  }
0x19: {  	s7 =	sld [smem:$0x3F9E]  }
0x1a: {  	s8 =	sadd.s32 $0xFFFFE003, lr  }
0x1b: {  	s9 =	sadd.s32 $0xFFFFFEF7, lr;
	s5 =	simm.s32 $0xFFFFFFFF;
	p2 =	slt.u32 s8, $0xFFFFF086  }
0x1c: {  	p1 =	slt.u32 s9, $0xF7A;
	s5 =	simm.s32 @!p2 $0x0  }
0x1d: {  	s5 =	simm.s32 @p1 $0x1;
	p0 =	seq.s32 s7, s2  }
0x1e: {  	s7 =	smul.u32 @!p0 $0xF7A, s2;
	p2 =	seq.s32 @!p0 s5, $0x0  }
0x1f: {  	s9 =	smul.u32 $0xF7A, s1;
	s8 =	simm.s32 @!p0 $0x1BF5;
	p2 =	por !p2, p0  }
0x20: {  	[sflag:s8] =	ssyncset.s32 @!p0 $0xFFFFF086;
	s6 =	sadd.s32 @!p0 s3, s7;
	s7 =	simm.s32 @!p0 $0x108  }
0x21: {  	s3 =	sadd.s32 s3, s9;
	s6 =	sadd.s32 @!p0 $0x88, s6;
	s7 =	simm.s32 @p2 $0x1082  }
0x22: {  	[simem:s7], [sflag:s8] =	dma.local @!p0 [hbm:s6], $0xF7A  }
0x23: {  	s9 =	sor.u32 $0xD0000000, s2;
	s6 =	simm.s32 $0x108;
	_ =	swait.ge @!p0 [sflag:s8], $0x0  }
0x24: {  	s3 =	sadd.s32 $0x88, s3;
	s6 =	simm.s32 @!p1 $0x1082;
	[sflag:s4] =	ssyncset.s32 $0xFFFFF086  }
0x25: {  	[simem:s6], [sflag:s4] =	dma.local [hbm:s3], $0xF7A  }
0x26: {  	[smem:$0x3F9E] =	sst s1;
	(tag) =	ssettag s2;
	_ =	strace s9  }
0x27: {  	s1 =	sld [smem:$0x3FAE]  }
0x28: {  	s2 =	sld [smem:$0x3FAF]  }
0x29: {  	s4 =	sld [smem:$0x3FB1]  }
0x2a: {  	p0 =	seq.s32 s5, $0x0;
	s5 =	sld [smem:$0x3FB2]  }
0x2b: {  	s6 =	sld [smem:$0x3FB3]  }
0x2c: {  	s7 =	sld [smem:$0x3FB4]  }
0x2d: {  	s3 =	simm.s32 $0x108;
	s8 =	sld [smem:$0x3FB5]  }
0x2e: {  	s3 =	simm.s32 @!p0 $0x1082;
	s9 =	sld [smem:$0x3FB6]  }
0x2f: {  	lr =	sadd.s32 s0, s3;
	s0 =	sld [smem:$0x3FAD]  }
0x30: {  	s3 =	sld [smem:$0x3FB0]  }
0x31: {  	[smem:$0x3FB9] =	sst s10  }
0x32: {  	s10 =	sld [smem:$0x3FB7];
	_ =	sdelay $0x3  }
0x33: {  	p0 =	seq.s32 s10, $0x1;
	s10 =	sld [smem:$0x3FB9];
	_ =	sdelay $0x3  }
0x34: {  	[smem:$0x3FB9] =	sst s10  }
0x35: {  	s10 =	sld [smem:$0x3FB8];
	_ =	sdelay $0x3  }
0x36: {  	p1 =	seq.s32 s10, $0x1;
	s10 =	sld [smem:$0x3FB9];
	_ =	sdelay $0x3  }
0x37: {  	[smem:$0x3FB9] =	sst s10  }
0x38: {  	s10 =	sld [smem:$0x3FBA]  }
0x39: {  	_ = 	snop;
	(pc) =	sbr.ind lr, $3  }
0x3a: {  	_ = 	snop  }
0x3b: {  	_ = 	snop  }
0x3c: {  	p2 =	seq.s32 s10, $0x1;
	s10 =	sld [smem:$0x3FB9]  }
0x3d: {  	_ =	shalt  }
0x3e: {  	_ =	shalt  }
0x3f: {  	_ =	shalt  }
0x40: {  	_ =	shalt  }
0x41: {  	_ =	shalt  }
0x42: {  	_ =	shalt  }
0x43: {  	_ =	shalt  }
0x44: {  	_ =	shalt  }
0x45: {  	_ =	shalt  }
0x46: {  	_ =	shalt  }
0x47: {  	_ =	shalt  }
0x48: {  	_ =	shalt  }
0x49: {  	_ =	shalt  }
0x4a: {  	_ =	shalt  }
0x4b: {  	_ =	shalt  }
0x4c: {  	_ =	shalt  }
0x4d: {  	_ =	shalt  }
0x4e: {  	_ =	shalt  }
0x4f: {  	_ =	shalt  }
0x50: {  	_ =	shalt  }
0x51: {  	_ =	shalt  }
0x52: {  	_ =	shalt  }
0x53: {  	_ =	shalt  }
0x54: {  	_ =	shalt  }
0x55: {  	_ =	shalt  }
0x56: {  	_ =	shalt  }
0x57: {  	_ =	shalt  }
0x58: {  	_ =	shalt  }
0x59: {  	_ =	shalt  }
0x5a: {  	_ =	shalt  }
0x5b: {  	_ =	shalt  }
0x5c: {  	_ =	shalt  }
0x5d: {  	_ =	shalt  }
0x5e: {  	_ =	shalt  }
0x5f: {  	_ =	shalt  }
0x60: {  	_ =	shalt  }
0x61: {  	_ =	shalt  }
0x62: {  	_ =	shalt  }
0x63: {  	_ =	shalt  }
0x64: {  	_ =	shalt  }
0x65: {  	_ =	shalt  }
0x66: {  	_ =	shalt  }
0x67: {  	_ =	shalt  }
0x68: {  	_ =	shalt  }
0x69: {  	_ =	shalt  }
0x6a: {  	_ =	shalt  }
0x6b: {  	_ =	shalt  }
0x6c: {  	_ =	shalt  }
0x6d: {  	_ =	shalt  }
0x6e: {  	_ =	shalt  }
0x6f: {  	_ =	shalt  }
0x70: {  	_ =	shalt  }
0x71: {  	_ =	shalt  }
0x72: {  	_ =	shalt  }
0x73: {  	_ =	shalt  }
0x74: {  	_ =	shalt  }
0x75: {  	_ =	shalt  }
0x76: {  	_ =	shalt  }
0x77: {  	_ =	shalt  }
0x78: {  	_ =	shalt  }
0x79: {  	_ =	shalt  }
0x7a: {  	_ =	shalt  }
0x7b: {  	_ =	shalt  }
0x7c: {  	_ =	shalt  }
0x7d: {  	_ =	shalt  }
0x7e: {  	_ =	shalt  }
0x7f: {  	_ =	shalt  }
0x80: {  	_ =	shalt  }
0x81: {  	_ =	shalt  }
0x82: {  	_ =	shalt  }
0x83: {  	_ =	shalt  }
0x84: {  	_ =	shalt  }
0x85: {  	_ =	shalt  }
0x86: {  	_ =	shalt  }
0x87: {  	_ =	shalt  }
.Lfunc_end0:
.L_simem_size_0:
called_computation_lowered:
.L_overlay_start_0:
0x88: {  	s0 =	sld [smem:$0x3FD9]  }
0x89: {  	s1 =	sld [smem:$0x3FFE];
	_ =	sdelay $0x3  }
0x8a: {  	s0 =	sadd.s32 s1, s0  }
0x8b: {  	[smem:$0x3FC5] =	sst s0  }
0x8c: {  	_ = 	snop  }
0x8d: {  	s0 =	sld [smem:$0x3FC9]  }
0x8e: {  	s17 =	sld [smem:$0x3FC8]  }
0x8f: {  	s2 =	sld [smem:$0x3FC7]  }
0x90: {  	s3 =	sld [smem:$0x3FD0];
	(tm) =	ssettm $0x1  }
0x91: {  	s4 =	sld [smem:$0x3FFB];
	_ =	sdelay $0x3  }
0x92: {  	_ =	strace s4  }
0x93: {  	s4 =	sld [smem:$0x3FFC];
	_ =	sdelay $0x3  }
0x94: {  	_ =	strace s4  }
0x95: {  	s4 =	sld [smem:$0x3FFD];
	_ =	sdelay $0x3  }
0x96: {  	_ =	strace s4  }
0x97: {  	_ =	strace $0x8FFFFFFF  }
0x98: {  	s18 =	sld [smem:$0x3FDB];
	_ =	sdelay $0x1  }
0x99: {  	s5 =	simm.s32 $_scs_section_size  }
0x9a: {  	s6 =	simm.s32 $_size__tile_overlayer_lowered;
	s7 =	simm.s32 $_tile_overlayer_lowered  }
0x9b: {  	s21 =	simm.s32 $0x1BFF;
	s20 =	sshll.u32 s7, $0x1;
	s4 =	sadd.s32 s5, s18  }
0x9c: {  	s8 =	simm.s32 $0x0;
	s19 =	sshll.u32 s6, $0x1;
	s6 =	sadd.s32 s20, s4  }
0x9d: {  	[timem:s8], [sflag:s21] =	dma.local [hbm:s6], s19  }
0x9e: {  	_ =	swait.ge [sflag:s21], s19  }
0x9f: {  	s5 =	ssub.s32 $0x0, s19;
	[sflag:s21] =	ssyncset.done $0x0  }
0xa0: {  	[sflag:s21] =	ssyncadd.s32 s5;
	_ =	sdelay $0x1  }
0xa1: {  	s22 =	simm.s32 $0x1B8B  }
0xa2: {  	_ =	swait.ge [sflag:s22], $0x1  }
0xa3: {  	[sflag:s22] =	ssyncset.done $0x0  }
0xa4: {  	s23 =	simm.s32 $0x1B8E;
	[sflag:s22] =	ssyncadd.s32 $0xFFFFFFFF  }
0xa5: {  	s24 =	simm.s32 $execute0_lowered;
	[smem:$0x3FD2] =	sst s23  }
0xa6: {  	s5 =	sshll.u32 s24, $0x1;
	_ =	strace $0x80000046;
	[dreg:$0x1] =	wrdreg $0xFFFFFFFF  }
0xa7: {  	s25 =	simm.s32 $_size_execute0_lowered;
	s4 =	sadd.s32 s4, s5;
	[dreg:$0x0] =	wrdreg $0x0  }
0xa8: {  	s5 =	sshll.u32 s25, $0x1;
	[dreg:$0x2] =	wrdreg s4  }
0xa9: {  	[dreg:$0x3] =	wrdreg s5  }
0xaa: {  	[dreg:$0x4] =	wrdreg $0xC0  }
0xab: {  	_ =	task [dreg:s8], $0x5FFFF  }
0xac: {  	[dreg:$0x1] =	wrdreg $0xFFFFFFFF  }
0xad: {  	[dreg:$0x0] =	wrdreg $0x60  }
0xae: {  	[dreg:$0x2] =	wrdreg s0  }
0xaf: {  	[dreg:$0x3] =	wrdreg s17  }
0xb0: {  	[dreg:$0x4] =	wrdreg s2  }
0xb1: {  	[dreg:$0x5] =	wrdreg s3  }
0xb2: {  	[dreg:$0x6] =	wrdreg $0x9  }
0xb3: {  	_ =	task.clear_ibuf [dreg:s8], $0x7FFFF;
	_ =	strace $0x90000046  }
0xb4: {  	s26 =	simm.s32 $0x9;
	_ =	strace $0x80000048  }
0xb5: {  	_ =	swait.ge [sflag:s26], $0x1  }
0xb6: {  	[sflag:s26] =	ssyncadd.s32 $0xFFFFFFFF  }
0xb7: {  	_ =	strace $0x90000048  }
0xb8: {  	_ =	sfence  }
0xb9: {  	s28 =	sld [smem:$0x0];
	_ =	sdelay $0x1  }
0xba: {  	s29 =	srdreg.scid  }
0xbb: {  	s30 =	sshll.u32 s29, $0xD;
	s31 =	sshrl.u32 s29, $0x2  }
0xbc: {  	s1 =	sand.u32 $0x1, s29;
	s2 =	sand.u32 $0x4000, s30;
	s0 =	sadd.s32 s31, s28  }
0xbd: {  	s1 =	sor.u32 s2, s1;
	s0 =	sshll.u32 s0, $0x11  }
0xbe: {  	s0 =	sor.u32 s0, s1  }
0xbf: {  	s0 =	sadd.s32 $0x8F2B, s0  }
0xc0: {  	[sflag:s0] =	ssyncadd.remote.s32 $0x1  }
0xc1: {  	_ =	sfence.sel $0xFFFF  }
0xc2: {  	[dreg:$0x0] =	wrdreg $0xFFFFFFFF;
	(pc) =	sbr.abs _section_cstart, $3  }
0xc3: {  	[dreg:$0x1] =	wrdreg $0xFFFFFFFF  }
0xc4: {  	_ =	task.clear_ibuf [dreg:s8], $0x2FFFF;
	_ =	strace $0x9FFFFFFF  }
0xc5: {  	(tm) =	ssettm $0x7FFFFFFF  }
tec
execute0_lowered:
.L_overlay_start_1:
0x0: {  	(tag) =	ssettag $0x1  }
0x1: {  	s4 =	rddreg [dreg:$0x0]  }
0x2: {  	s5 =	rddreg [dreg:$0x1]  }
0x3: {  	s6 =	rddreg [dreg:$0x2]  }
0x4: {  	s3 =	rddreg [dreg:$0x3];
	s2 =	simm.s32 $0x0  }
0x5: {  	s1 =	stileid.u32;
	[smem:$0x7FF] =	sst s2  }
0x6: {  	s0 =	rddreg [dreg:$0x4];
	s5 =	sadd.s32 s5, s1;
	_ =	strace $0x80000047  }
0x7: {  	[tilespmem:s2], [sflag:$0x1] =	stream.linear.gather [hbm4b:s5+s2], $0x8, $0x38;
	[tilespmem:$0x2180] =	vst v63  }
0x8: {  	s25 =	simm.s32 $0x80;
	s26 =	simm.s32 $0x1;
	s24 =	sadd.s32 s6, s1  }
0x9: {  	[tilespmem:s25], [sflag:$0x1] =	stream.linear.gather [hbm4b:s24+s2], $0x8, $0x38;
	[tilespmem:$0x2180] =	vst v63  }
0xa: {  	_ =	swait.ge [sflag:s26], $0x8  }
0xb: {  	[sflag:s26] =	ssyncset.done $0x0  }
0xc: {  	[sflag:s26] =	ssyncadd.s32 $0xFFFFFFF8  }
0xd: {  	_ =	swait.ge [sflag:s26], $0x8  }
0xe: {  	[sflag:s26] =	ssyncset.done $0x0  }
0xf: {  	[sflag:s26] =	ssyncadd.s32 $0xFFFFFFF8  }
0x10: {  	v1 =	vld [tilespmem:$0x0]  }
0x11: {  	v0 =	vld [tilespmem:$0x80];
	_ =	sdelay $0x3  }
0x12: {  	v1 =	vshll.u32 v1, $0xD  }
0x13: {  	v1 =	vadd.s32 v1, v0  }
0x14: {  	v1 =	vadd.s32 $0xFFFFFFFF, v1  }
0x15: {  	vm0 =	vgt.s32 v1, $0x0  }
0x16: {  	v1 =	vnsel vm0, $0x0, v1  }
0x17: {  	vm7 =	vmmov $0x1;
	v1 =	vmin.u32 v1, $0x1FFFFFF  }
0x18: {  	v2 =	vnsel vm7, $0x0, v1  }
0x19: {  	v2 =	vor.u32 $0x80000000, v2  }
0x1a: {  	(xrf0) =	vmax.scan.msk.u32 $0xffff, v2;
	_ =	sdelay $0x2  }
0x1b: {  	vm8 =	vcmask $0x308  }
0x1c: {  	v3 =	vsel vm8, $0x0, v1  }
0x1d: {  	v49 =	vor.u32 $0x80000000, v3  }
0x1e: {  	v2, _, _ =	vpop (xrf0);
	(xrf0) =	vmax.scan.msk.u32 $0xffff, v49  }
0x1f: {  	(v2sf) =	vpush v2, $0xF;
	_ =	sdelay $0x4  }
0x20: {  	vm9 =	vcmask $0x70C;
	v2, _, _ =	vpop (xrf0)  }
0x21: {  	v50 =	vsel vm9, $0x0, v1;
	(v2sf) =	vpush v2, $0xF  }
0x22: {  	v51 =	vor.u32 $0x80000000, v50  }
0x23: {  	(xrf0) =	vmax.scan.msk.u32 $0xffff, v51;
	_ =	sdelay $0x2  }
0x24: {  	vm10 =	vcmask $0xB10  }
0x25: {  	v52 =	vsel vm10, $0x0, v1  }
0x26: {  	v53 =	vor.u32 $0x80000000, v52  }
0x27: {  	v2, _, _ =	vpop (xrf0);
	(xrf0) =	vmax.scan.msk.u32 $0xffff, v53  }
0x28: {  	s28 =	spop (v2sf);
	(v2sf) =	vpush v2, $0xF  }
0x29: {  	s29 =	sshll.u32 s28, $0x3  }
0x2a: {  	s5 =	sand.u32 $0xFFFF0000, s28;
	s6 =	sand.u32 $0xFC00, s29  }
0x2b: {  	vm11 =	vcmask $0xF14;
	s5 =	sor.u32 s5, s6  }
0x2c: {  	v54 =	vsel vm11, $0x0, v1;
	s5 =	sshrl.u32 s5, $0x3  }
0x2d: {  	v55 =	vor.u32 $0x80000000, v54;
	v2, _, _ =	vpop (xrf0);
	s5 =	sxor.u32 $0x10000000, s5  }
0x2e: {  	s31 =	simm.s32 $0x180;
	(xrf0) =	vmax.scan.msk.u32 $0xffff, v55;
	s30 =	sadd.s32 s4, s5;
	s8 =	spop (v2sf);
	(v2sf) =	vpush v2, $0xF  }
0x2f: {  	[tilespmem:s31], [sflag:$0x2] =	stream.linear.gather [hbm4b:s30+s2], $0x400, $0x38;
	[tilespmem:$0x2180] =	vst v63  }
0x30: {  	s7 =	sshll.u32 s8, $0x3  }
0x31: {  	s6 =	sand.u32 $0xFFFF0000, s8;
	s7 =	sand.u32 $0xFC00, s7  }
0x32: {  	vm12 =	vcmask $0x1318;
	s6 =	sor.u32 s6, s7  }
0x33: {  	v56 =	vsel vm12, $0x0, v1;
	s6 =	sshrl.u32 s6, $0x3  }
0x34: {  	v57 =	vor.u32 $0x80000000, v56;
	s6 =	sxor.u32 $0x10000000, s6  }
0x35: {  	s9 =	simm.s32 $0x580;
	v2, _, _ =	vpop (xrf0);
	(xrf0) =	vmax.scan.msk.u32 $0xffff, v57;
	s6 =	sadd.s32 s4, s6  }
0x36: {  	[tilespmem:s9], [sflag:$0x2] =	stream.linear.gather [hbm4b:s6+s2], $0x400, $0x38;
	[tilespmem:$0x2180] =	vst v63  }
0x37: {  	s10 =	spop (v2sf);
	(v2sf) =	vpush v2, $0xF  }
0x38: {  	s11 =	sshll.u32 s10, $0x3  }
0x39: {  	s6 =	sand.u32 $0xFFFF0000, s10;
	s7 =	sand.u32 $0xFC00, s11  }
0x3a: {  	vm13 =	vcmask $0x171C;
	s6 =	sor.u32 s6, s7  }
0x3b: {  	v58 =	vsel vm13, $0x0, v1;
	s6 =	sshrl.u32 s6, $0x3  }
0x3c: {  	v59 =	vor.u32 $0x80000000, v58;
	v2, _, _ =	vpop (xrf0);
	s6 =	sxor.u32 $0x10000000, s6  }
0x3d: {  	s12 =	simm.s32 $0x980;
	(xrf0) =	vmax.scan.msk.u32 $0xffff, v59;
	s6 =	sadd.s32 s4, s6;
	s13 =	spop (v2sf);
	(v2sf) =	vpush v2, $0xF  }
0x3e: {  	[tilespmem:s12], [sflag:$0x2] =	stream.linear.gather [hbm4b:s6+s2], $0x400, $0x38;
	[tilespmem:$0x2180] =	vst v63  }
0x3f: {  	s14 =	sshll.u32 s13, $0x3  }
0x40: {  	s6 =	sand.u32 $0xFFFF0000, s13;
	s7 =	sand.u32 $0xFC00, s14  }
0x41: {  	vm14 =	vcmask $0x1B20;
	s6 =	sor.u32 s6, s7  }
0x42: {  	v60 =	vsel vm14, $0x0, v1;
	s6 =	sshrl.u32 s6, $0x3  }
0x43: {  	v61 =	vor.u32 $0x80000000, v60;
	s6 =	sxor.u32 $0x10000000, s6  }
0x44: {  	s15 =	simm.s32 $0xD80;
	v2, _, _ =	vpop (xrf0);
	(xrf0) =	vmax.scan.msk.u32 $0xffff, v61;
	s6 =	sadd.s32 s4, s6  }
0x45: {  	[tilespmem:s15], [sflag:$0x2] =	stream.linear.gather [hbm4b:s6+s2], $0x400, $0x38;
	[tilespmem:$0x2180] =	vst v63  }
0x46: {  	s16 =	spop (v2sf);
	(v2sf) =	vpush v2, $0xF  }
0x47: {  	s17 =	sshll.u32 s16, $0x3  }
0x48: {  	s6 =	sand.u32 $0xFFFF0000, s16;
	s7 =	sand.u32 $0xFC00, s17  }
0x49: {  	s6 =	sor.u32 s6, s7  }
0x4a: {  	s6 =	sshrl.u32 s6, $0x3  }
0x4b: {  	v2, _, _ =	vpop (xrf0);
	s6 =	sxor.u32 $0x10000000, s6  }
0x4c: {  	s18 =	simm.s32 $0x1180;
	s6 =	sadd.s32 s4, s6;
	s19 =	spop (v2sf);
	(v2sf) =	vpush v2, $0xF  }
0x4d: {  	[tilespmem:s18], [sflag:$0x2] =	stream.linear.gather [hbm4b:s6+s2], $0x400, $0x38;
	[tilespmem:$0x2180] =	vst v63  }
0x4e: {  	s20 =	sshll.u32 s19, $0x3  }
0x4f: {  	s6 =	sand.u32 $0xFFFF0000, s19;
	s7 =	sand.u32 $0xFC00, s20  }
0x50: {  	s6 =	sor.u32 s6, s7  }
0x51: {  	s6 =	sshrl.u32 s6, $0x3  }
0x52: {  	s6 =	sxor.u32 $0x10000000, s6  }
0x53: {  	s21 =	simm.s32 $0x1580;
	s6 =	sadd.s32 s4, s6  }
0x54: {  	[tilespmem:s21], [sflag:$0x2] =	stream.linear.gather [hbm4b:s6+s2], $0x400, $0x38;
	[tilespmem:$0x2180] =	vst v63  }
0x55: {  	s22 =	spop (v2sf)  }
0x56: {  	s23 =	sshll.u32 s22, $0x3  }
0x57: {  	s6 =	sand.u32 $0xFFFF0000, s22;
	s7 =	sand.u32 $0xFC00, s23  }
0x58: {  	s6 =	sor.u32 s6, s7  }
0x59: {  	s6 =	sshrl.u32 s6, $0x3  }
0x5a: {  	s6 =	sxor.u32 $0x10000000, s6  }
0x5b: {  	s24 =	simm.s32 $0x1980;
	s6 =	sadd.s32 s4, s6;
	s25 =	spop (v2sf)  }
0x5c: {  	[tilespmem:s24], [sflag:$0x2] =	stream.linear.gather [hbm4b:s6+s2], $0x400, $0x38;
	[tilespmem:$0x2180] =	vst v63  }
0x5d: {  	s26 =	sshll.u32 s25, $0x3  }
0x5e: {  	s6 =	sand.u32 $0xFFFF0000, s25;
	s7 =	sand.u32 $0xFC00, s26  }
0x5f: {  	s6 =	sor.u32 s6, s7  }
0x60: {  	s6 =	sshrl.u32 s6, $0x3  }
0x61: {  	s6 =	sxor.u32 $0x10000000, s6  }
0x62: {  	s28 =	simm.s32 $0x1D80;
	s29 =	simm.s32 $0x2;
	s4 =	sadd.s32 s4, s6  }
0x63: {  	[tilespmem:s28], [sflag:$0x2] =	stream.linear.gather [hbm4b:s4+s2], $0x400, $0x38;
	[tilespmem:$0x2180] =	vst v63  }
0x64: {  	_ =	swait.ge [sflag:s29], $0x400  }
0x65: {  	[sflag:s29] =	ssyncset.done $0x0  }
0x66: {  	[sflag:s29] =	ssyncadd.s32 $0xFFFFFC00  }
0x67: {  	_ =	swait.ge [sflag:s29], $0x400  }
0x68: {  	[sflag:s29] =	ssyncset.done $0x0  }
0x69: {  	[sflag:s29] =	ssyncadd.s32 $0xFFFFFC00  }
0x6a: {  	_ =	swait.ge [sflag:s29], $0x400  }
0x6b: {  	[sflag:s29] =	ssyncset.done $0x0  }
0x6c: {  	[sflag:s29] =	ssyncadd.s32 $0xFFFFFC00  }
0x6d: {  	_ =	swait.ge [sflag:s29], $0x400  }
0x6e: {  	[sflag:s29] =	ssyncset.done $0x0  }
0x6f: {  	[sflag:s29] =	ssyncadd.s32 $0xFFFFFC00  }
0x70: {  	_ =	swait.ge [sflag:s29], $0x400  }
0x71: {  	[sflag:s29] =	ssyncset.done $0x0  }
0x72: {  	v62 =	vlaneseq.u32;
	[sflag:s29] =	ssyncadd.s32 $0xFFFFFC00  }
0x73: {  	v63 =	vshrl.u32 v1, $0xD;
	v2 =	vand.u32 $0x7, v62;
	_ =	swait.ge [sflag:s29], $0x400  }
0x74: {  	v3 =	vand.u32 $0x7, v63;
	v2 =	vmul.u32 $0x400, v2;
	[sflag:s29] =	ssyncset.done $0x0  }
0x75: {  	v3 =	vshll.u32 v3, $0x7;
	[sflag:s29] =	ssyncadd.s32 $0xFFFFFC00  }
0x76: {  	v1 =	vand.u32 $0x7F, v1;
	v2 =	vor.u32 v2, v3;
	_ =	swait.ge [sflag:s29], $0x400  }
0x77: {  	v1 =	vor.u32 v1, v2;
	[sflag:s29] =	ssyncset.done $0x0  }
0x78: {  	[sflag:s29] =	ssyncadd.s32 $0xFFFFFC00  }
0x79: {  	_ =	swait.ge [sflag:s29], $0x400  }
0x7a: {  	[sflag:s29] =	ssyncset.done $0x0  }
0x7b: {  	[sflag:s29] =	ssyncadd.s32 $0xFFFFFC00  }
0x7c: {  	v1 =	vld.idx.msk [tilespmem:v1+s31+$0x0], $0xffff;
	_ =	sdelay $0x3  }
0x7d: {  	vm15 =	vgt.s32 v0, $0x0  }
0x7e: {  	v0 =	vnsel vm15, $0xFFFFFFFF, v1  }
0x7f: {  	s3 =	sadd.s32 s3, s1;
	s30 =	simm.s32 $0x100;
	s31 =	simm.s32 $0x3;
	[tilespmem:$0x100] =	vst v0  }
0x80: {  	[hbm4b:s3+s2] =	stream.linear.scatter [tilespmem:s30], [sflag:$0x3], $0x8, $0x38;
	[tilespmem:$0x2180] =	vst v63  }
0x81: {  	_ =	swait.ge [sflag:s31], $0x8  }
0x82: {  	[sflag:s31] =	ssyncset.done $0x0  }
0x83: {  	[sflag:s31] =	ssyncadd.s32 $0xFFFFFFF8  }
0x84: {  	_ =	sfence.sel $0x180000  }
0x85: {  	[bflag:$0x0] =	sbarrier.arrive $0xFFFF  }
0x86: {  	p0 =	sne.s32 s1, $0x0;
	_ =	strace $0x90000047  }
0x87: {  	s0 =	sadd.s32 @!p0 $0x100000, s0;
	[bflag:$0x2] =	sbarrier.arrive $0xFFFF  }
0x88: {  	[sflag:s0] =	ssyncadd.tile.s32 @!p0 $0x1;
	_ =	shalt  }
.Lfunc_end2:
_tile_overlayer_lowered:
.L_overlay_start_2:
0x89: {  	(tag) =	ssettag $0x2  }
0x8a: {  	s0 =	rddreg [dreg:$0x0];
	s2 =	stileid.u32  }
0x8b: {  	s1 =	rddreg [dreg:$0x1];
	p0 =	sne.s32 s2, $0x0  }
0x8c: {  	s3 =	rddreg [dreg:$0x2];
	[bflag:$0x3] =	sbarrier.arrive $0xFFFF;
	s2 =	simm.s32 @!p0 $0x1C03  }
0x8d: {  	[timem:s3], [sflag:s2] =	dma.local @!p0 [hbm:s0], s1  }
0x8e: {  	s0 =	simm.s32 @!p0 $0x3  }
0x8f: {  	_ =	swait.ge @!p0 [sflag:s0], s1  }
0x90: {  	s1 =	ssub.s32 @!p0 $0x0, s1;
	[sflag:s0] =	ssyncset.done @!p0 $0x0  }
0x91: {  	[sflag:s0] =	ssyncadd.s32 @!p0 s1  }
0x92: {  	[bflag:$0x3] =	sbarrier.arrive $0xFFFF  }
0x93: {  	_ =	shalt  }

</sc_bundles>
